<compile_context>
chip_gen: v7x
topology: tpu7x:2x2x1
jax: 0.10.2.dev20260603
libtpu: 0.0.44.dev20260713+nightly
codegen_flags: <defaults>
</compile_context>

<pallas_src>
import functools

import jax
import jax.numpy as jnp
from jax import lax
from jax.experimental import pallas as pl
from jax.experimental.pallas import tpu as pltpu
from jax.experimental.pallas import tpu_sc as plsc

_LANES = 16

_ROW_BLOCK = 512


_IDX_MINOR = 128


_N_SUBCORES = 16


def _scale_vec_sc(support_indices, delta, d_model):
    support = support_indices.shape[0]
    n_streams = support // _IDX_MINOR
    seg = d_model // _N_SUBCORES
    idx2d = support_indices.reshape(n_streams, _IDX_MINOR)
    mesh = plsc.VectorSubcoreMesh(core_axis_name="c", subcore_axis_name="s")

    @functools.partial(
        pl.kernel,
        mesh=mesh,
        out_type=jax.ShapeDtypeStruct((d_model,), jnp.float32),
        scratch_types=[
            pltpu.VMEM((_IDX_MINOR,), jnp.int32),
            pltpu.VMEM((_IDX_MINOR,), jnp.float32),
            pltpu.VMEM((seg,), jnp.float32),
            pltpu.SemaphoreType.DMA,
            pltpu.SemaphoreType.DMA,
            pltpu.SemaphoreType.DMA,
            pltpu.SemaphoreType.DMA,
        ],
    )
    def scatter_kernel(idx_hbm, delta_hbm, s_hbm, idx_v, dl_v, z_v,
                       semz, semi, semd, sems):
        cid = lax.axis_index("c")
        sid = lax.axis_index("s")

        @pl.when(cid == 0)
        def _():
            zeros = jnp.zeros((_LANES,), jnp.float32)
            for i in range(seg // _LANES):
                z_v[pl.ds(i * _LANES, _LANES)] = zeros
            zc = pltpu.async_copy(
                z_v, s_hbm.at[pl.ds(pl.multiple_of(sid * seg, 8), seg)], semz)

            @pl.when(sid < n_streams)
            def _():
                ic = pltpu.async_copy(idx_hbm.at[sid], idx_v, semi)
                dc = pltpu.async_copy(
                    delta_hbm.at[pl.ds(pl.multiple_of(sid * _IDX_MINOR, 8),
                                       _IDX_MINOR)],
                    dl_v, semd)
                ic.wait()
                dc.wait()
                for i in range(_IDX_MINOR // _LANES):
                    sl = pl.ds(i * _LANES, _LANES)
                    dl_v[sl] = dl_v[sl] + 1.0

            zc.wait()
            plsc.subcore_barrier()

            @pl.when(sid < n_streams)
            def _():
                pltpu.async_copy(dl_v, s_hbm.at[idx_v], sems).wait()

    return scatter_kernel(idx2d, delta)


def _mul_body(x_ref, s_ref, o_ref):
    o_ref[...] = x_ref[...] * s_ref[...]


def _apply_scale_tc(x, s_row):
    n_tokens, d_model = x.shape
    block = min(_ROW_BLOCK, n_tokens)
    return pl.pallas_call(
        _mul_body,
        grid=(n_tokens // block,),
        in_specs=[
            pl.BlockSpec((block, d_model), lambda i: (i, 0)),
            pl.BlockSpec((1, d_model), lambda i: (0, 0)),
        ],
        out_specs=pl.BlockSpec((block, d_model), lambda i: (i, 0)),
        out_shape=jax.ShapeDtypeStruct((n_tokens, d_model), jnp.float32),
        compiler_params=pltpu.CompilerParams(
            dimension_semantics=("arbitrary",),
        ),
    )(x, s_row)


def kernel(x, support_indices, delta):
    d_model = x.shape[-1]
    s = _scale_vec_sc(support_indices, delta, d_model)
    return _apply_scale_tc(x, s.reshape(1, d_model))

# --- scband reference (transcript-rebuilt; emitter-appended) ---
"""Pipeline reference for scband-selective-diag-core-10651518894815 (READ-ONLY COPY).

The authoritative reference and input builder live on the scoring server;
editing this copy changes nothing except your own understanding.
"""

import jax, jax.numpy as jnp
import numpy as np

D_MODEL = 4096
SUPPORT_SIZE = 1024
N_TOKENS = 8192

def setup_inputs(seed: int = 0) -> dict:
    key = jax.random.key(seed)
    k1, k2, k3 = jax.random.split(key, 3)
    x = jax.random.normal(k1, (N_TOKENS, D_MODEL), dtype=jnp.float32)
    # unique support indices U (active support == support_size here)
    support_indices = jax.random.permutation(k2, D_MODEL)[:SUPPORT_SIZE].astype(jnp.int32)
    # learned diagonal perturbation delta (nn.Parameter); small nonzero values
    delta = jax.random.normal(k3, (SUPPORT_SIZE,), dtype=jnp.float32) * 0.01
    return {"x": x, "support_indices": support_indices, "delta": delta}

def reference(x, support_indices, delta):
    # SelectiveDiagCore.apply_to_vector with n_active == support_size:
    #   y = zeros_like(x); y[..., u] = x[..., u] * (1 + delta)
    scale = jnp.ones_like(delta) + delta
    gathered = jnp.take(x, support_indices, axis=-1)  # x[..., u]
    vals = gathered * scale
    y = jnp.zeros_like(x)
    y = y.at[..., support_indices].set(vals)  # scatter-overwrite on support
    return y

if __name__ == "__main__":
    import jax
    _d = setup_inputs()
    print(jax.jit(kernel)(*tuple(_d.values())))

</pallas_src>

<mosaic_0001>
#map = affine_map<(d0, d1) -> (0, 0)>
#map1 = affine_map<(d0, d1) -> (0)>
module attributes {stable_mosaic.version = 14 : i64} {
  func.func @scatter_kernel(%arg0: i32, %arg1: i32, %arg2: memref<8x128xi32, #tpu.memory_space<hbm>>, %arg3: memref<1024xf32, #tpu.memory_space<hbm>>, %arg4: memref<4096xf32, #tpu.memory_space<hbm>>, %arg5: memref<128xi32, #tpu.memory_space<vmem>>, %arg6: memref<128xf32, #tpu.memory_space<vmem>>, %arg7: memref<256xf32, #tpu.memory_space<vmem>>, %arg8: memref<!tpu.dma_semaphore, #tpu.memory_space<semaphore_mem>>, %arg9: memref<!tpu.dma_semaphore, #tpu.memory_space<semaphore_mem>>, %arg10: memref<!tpu.dma_semaphore, #tpu.memory_space<semaphore_mem>>, %arg11: memref<!tpu.dma_semaphore, #tpu.memory_space<semaphore_mem>>) attributes {dimension_semantics = [#tpu.dimension_semantics<core_parallel>, #tpu.dimension_semantics<subcore_parallel>], iteration_bounds = array<i64: 2, 16>, scalar_prefetch = 0 : i64, scratch_operands = 7 : i64, tpu.core_type = #tpu.core_type<sc_vector_subcore>, window_params = [{transform_indices = #map}, {transform_indices = #map1}, {transform_indices = #map1}]} {
    %eq3A = arith.constant 0 : i32
    %eq3A_0 = arith.cmpi eq, %arg0, %eq3A : i32
    %convert_element_type3A = arith.extui %eq3A_0 : i1 to i32
    %cond3A = arith.constant 0 : i32
    %cond3A_1 = arith.cmpi ne, %convert_element_type3A, %cond3A : i32
    scf.if %cond3A_1 {
      %broadcast_in_dim3A = arith.constant 0.000000e+00 : f32
      %broadcast_in_dim3A_2 = vector.broadcast %broadcast_in_dim3A : f32 to vector<16xf32>
      %swap3A = arith.constant 0 : index
      %swap3A_3 = tpu.vector_load %arg7[%swap3A] {strides = array<i32>} : memref<256xf32, #tpu.memory_space<vmem>>, vector<16xf32>,
      %swap3A_4 = vector.shape_cast %swap3A_3 : vector<16xf32> to vector<16xf32>
      %swap3A_5 = vector.shape_cast %broadcast_in_dim3A_2 : vector<16xf32> to vector<16xf32>
      tpu.vector_store %arg7[%swap3A], %swap3A_5 {strides = array<i32>} : memref<256xf32, #tpu.memory_space<vmem>>, vector<16xf32>,
      %swap3A_6 = arith.constant 16 : index
      %swap3A_7 = tpu.vector_load %arg7[%swap3A_6] {strides = array<i32>} : memref<256xf32, #tpu.memory_space<vmem>>, vector<16xf32>,
      %swap3A_8 = vector.shape_cast %swap3A_7 : vector<16xf32> to vector<16xf32>
      %swap3A_9 = vector.shape_cast %broadcast_in_dim3A_2 : vector<16xf32> to vector<16xf32>
      tpu.vector_store %arg7[%swap3A_6], %swap3A_9 {strides = array<i32>} : memref<256xf32, #tpu.memory_space<vmem>>, vector<16xf32>,
      %swap3A_10 = arith.constant 32 : index
      %swap3A_11 = tpu.vector_load %arg7[%swap3A_10] {strides = array<i32>} : memref<256xf32, #tpu.memory_space<vmem>>, vector<16xf32>,
      %swap3A_12 = vector.shape_cast %swap3A_11 : vector<16xf32> to vector<16xf32>
      %swap3A_13 = vector.shape_cast %broadcast_in_dim3A_2 : vector<16xf32> to vector<16xf32>
      tpu.vector_store %arg7[%swap3A_10], %swap3A_13 {strides = array<i32>} : memref<256xf32, #tpu.memory_space<vmem>>, vector<16xf32>,
      %swap3A_14 = arith.constant 48 : index
      %swap3A_15 = tpu.vector_load %arg7[%swap3A_14] {strides = array<i32>} : memref<256xf32, #tpu.memory_space<vmem>>, vector<16xf32>,
      %swap3A_16 = vector.shape_cast %swap3A_15 : vector<16xf32> to vector<16xf32>
      %swap3A_17 = vector.shape_cast %broadcast_in_dim3A_2 : vector<16xf32> to vector<16xf32>
      tpu.vector_store %arg7[%swap3A_14], %swap3A_17 {strides = array<i32>} : memref<256xf32, #tpu.memory_space<vmem>>, vector<16xf32>,
      %swap3A_18 = arith.constant 64 : index
      %swap3A_19 = tpu.vector_load %arg7[%swap3A_18] {strides = array<i32>} : memref<256xf32, #tpu.memory_space<vmem>>, vector<16xf32>,
      %swap3A_20 = vector.shape_cast %swap3A_19 : vector<16xf32> to vector<16xf32>
      %swap3A_21 = vector.shape_cast %broadcast_in_dim3A_2 : vector<16xf32> to vector<16xf32>
      tpu.vector_store %arg7[%swap3A_18], %swap3A_21 {strides = array<i32>} : memref<256xf32, #tpu.memory_space<vmem>>, vector<16xf32>,
      %swap3A_22 = arith.constant 80 : index
      %swap3A_23 = tpu.vector_load %arg7[%swap3A_22] {strides = array<i32>} : memref<256xf32, #tpu.memory_space<vmem>>, vector<16xf32>,
      %swap3A_24 = vector.shape_cast %swap3A_23 : vector<16xf32> to vector<16xf32>
      %swap3A_25 = vector.shape_cast %broadcast_in_dim3A_2 : vector<16xf32> to vector<16xf32>
      tpu.vector_store %arg7[%swap3A_22], %swap3A_25 {strides = array<i32>} : memref<256xf32, #tpu.memory_space<vmem>>, vector<16xf32>,
      %swap3A_26 = arith.constant 96 : index
      %swap3A_27 = tpu.vector_load %arg7[%swap3A_26] {strides = array<i32>} : memref<256xf32, #tpu.memory_space<vmem>>, vector<16xf32>,
      %swap3A_28 = vector.shape_cast %swap3A_27 : vector<16xf32> to vector<16xf32>
      %swap3A_29 = vector.shape_cast %broadcast_in_dim3A_2 : vector<16xf32> to vector<16xf32>
      tpu.vector_store %arg7[%swap3A_26], %swap3A_29 {strides = array<i32>} : memref<256xf32, #tpu.memory_space<vmem>>, vector<16xf32>,
      %swap3A_30 = arith.constant 112 : index
      %swap3A_31 = tpu.vector_load %arg7[%swap3A_30] {strides = array<i32>} : memref<256xf32, #tpu.memory_space<vmem>>, vector<16xf32>,
      %swap3A_32 = vector.shape_cast %swap3A_31 : vector<16xf32> to vector<16xf32>
      %swap3A_33 = vector.shape_cast %broadcast_in_dim3A_2 : vector<16xf32> to vector<16xf32>
      tpu.vector_store %arg7[%swap3A_30], %swap3A_33 {strides = array<i32>} : memref<256xf32, #tpu.memory_space<vmem>>, vector<16xf32>,
      %swap3A_34 = arith.constant 128 : index
      %swap3A_35 = tpu.vector_load %arg7[%swap3A_34] {strides = array<i32>} : memref<256xf32, #tpu.memory_space<vmem>>, vector<16xf32>,
      %swap3A_36 = vector.shape_cast %swap3A_35 : vector<16xf32> to vector<16xf32>
      %swap3A_37 = vector.shape_cast %broadcast_in_dim3A_2 : vector<16xf32> to vector<16xf32>
      tpu.vector_store %arg7[%swap3A_34], %swap3A_37 {strides = array<i32>} : memref<256xf32, #tpu.memory_space<vmem>>, vector<16xf32>,
      %swap3A_38 = arith.constant 144 : index
      %swap3A_39 = tpu.vector_load %arg7[%swap3A_38] {strides = array<i32>} : memref<256xf32, #tpu.memory_space<vmem>>, vector<16xf32>,
      %swap3A_40 = vector.shape_cast %swap3A_39 : vector<16xf32> to vector<16xf32>
      %swap3A_41 = vector.shape_cast %broadcast_in_dim3A_2 : vector<16xf32> to vector<16xf32>
      tpu.vector_store %arg7[%swap3A_38], %swap3A_41 {strides = array<i32>} : memref<256xf32, #tpu.memory_space<vmem>>, vector<16xf32>,
      %swap3A_42 = arith.constant 160 : index
      %swap3A_43 = tpu.vector_load %arg7[%swap3A_42] {strides = array<i32>} : memref<256xf32, #tpu.memory_space<vmem>>, vector<16xf32>,
      %swap3A_44 = vector.shape_cast %swap3A_43 : vector<16xf32> to vector<16xf32>
      %swap3A_45 = vector.shape_cast %broadcast_in_dim3A_2 : vector<16xf32> to vector<16xf32>
      tpu.vector_store %arg7[%swap3A_42], %swap3A_45 {strides = array<i32>} : memref<256xf32, #tpu.memory_space<vmem>>, vector<16xf32>,
      %swap3A_46 = arith.constant 176 : index
      %swap3A_47 = tpu.vector_load %arg7[%swap3A_46] {strides = array<i32>} : memref<256xf32, #tpu.memory_space<vmem>>, vector<16xf32>,
      %swap3A_48 = vector.shape_cast %swap3A_47 : vector<16xf32> to vector<16xf32>
      %swap3A_49 = vector.shape_cast %broadcast_in_dim3A_2 : vector<16xf32> to vector<16xf32>
      tpu.vector_store %arg7[%swap3A_46], %swap3A_49 {strides = array<i32>} : memref<256xf32, #tpu.memory_space<vmem>>, vector<16xf32>,
      %swap3A_50 = arith.constant 192 : index
      %swap3A_51 = tpu.vector_load %arg7[%swap3A_50] {strides = array<i32>} : memref<256xf32, #tpu.memory_space<vmem>>, vector<16xf32>,
      %swap3A_52 = vector.shape_cast %swap3A_51 : vector<16xf32> to vector<16xf32>
      %swap3A_53 = vector.shape_cast %broadcast_in_dim3A_2 : vector<16xf32> to vector<16xf32>
      tpu.vector_store %arg7[%swap3A_50], %swap3A_53 {strides = array<i32>} : memref<256xf32, #tpu.memory_space<vmem>>, vector<16xf32>,
      %swap3A_54 = arith.constant 208 : index
      %swap3A_55 = tpu.vector_load %arg7[%swap3A_54] {strides = array<i32>} : memref<256xf32, #tpu.memory_space<vmem>>, vector<16xf32>,
      %swap3A_56 = vector.shape_cast %swap3A_55 : vector<16xf32> to vector<16xf32>
      %swap3A_57 = vector.shape_cast %broadcast_in_dim3A_2 : vector<16xf32> to vector<16xf32>
      tpu.vector_store %arg7[%swap3A_54], %swap3A_57 {strides = array<i32>} : memref<256xf32, #tpu.memory_space<vmem>>, vector<16xf32>,
      %swap3A_58 = arith.constant 224 : index
      %swap3A_59 = tpu.vector_load %arg7[%swap3A_58] {strides = array<i32>} : memref<256xf32, #tpu.memory_space<vmem>>, vector<16xf32>,
      %swap3A_60 = vector.shape_cast %swap3A_59 : vector<16xf32> to vector<16xf32>
      %swap3A_61 = vector.shape_cast %broadcast_in_dim3A_2 : vector<16xf32> to vector<16xf32>
      tpu.vector_store %arg7[%swap3A_58], %swap3A_61 {strides = array<i32>} : memref<256xf32, #tpu.memory_space<vmem>>, vector<16xf32>,
      %swap3A_62 = arith.constant 240 : index
      %swap3A_63 = tpu.vector_load %arg7[%swap3A_62] {strides = array<i32>} : memref<256xf32, #tpu.memory_space<vmem>>, vector<16xf32>,
      %swap3A_64 = vector.shape_cast %swap3A_63 : vector<16xf32> to vector<16xf32>
      %swap3A_65 = vector.shape_cast %broadcast_in_dim3A_2 : vector<16xf32> to vector<16xf32>
      tpu.vector_store %arg7[%swap3A_62], %swap3A_65 {strides = array<i32>} : memref<256xf32, #tpu.memory_space<vmem>>, vector<16xf32>,
      %mul3A = arith.constant 256 : i32
      %mul3A_66 = arith.muli %arg1, %mul3A : i32
      %multiple_of3A = tpu.assume_multiple %mul3A_66, 8 : i32
      %dma_start3A = tpu.memref_slice %arg4[%multiple_of3A] : memref<4096xf32, #tpu.memory_space<hbm>> -> memref<256xf32, #tpu.memory_space<hbm>>
      %dma_start3A_67 = tpu.memref_slice %arg4[%multiple_of3A] : memref<4096xf32, #tpu.memory_space<hbm>> -> memref<256xf32, #tpu.memory_space<hbm>>
      tpu.enqueue_dma source(%arg7 : memref<256xf32, #tpu.memory_space<vmem>>) target(%dma_start3A_67 : memref<256xf32, #tpu.memory_space<hbm>>) target_semaphore(%arg8 : memref<!tpu.dma_semaphore, #tpu.memory_space<semaphore_mem>>)
      %lt3A = arith.constant 8 : i32
      %lt3A_68 = arith.cmpi slt, %arg1, %lt3A : i32
      %convert_element_type3A_69 = arith.extui %lt3A_68 : i1 to i32
      %cond3A_70 = arith.constant 0 : i32
      %cond3A_71 = arith.cmpi ne, %convert_element_type3A_69, %cond3A_70 : i32
      scf.if %cond3A_71 {
        %dma_start3A_78 = arith.constant 0 : i32
        %dma_start3A_79 = tpu.memref_slice %arg2[%arg1, %dma_start3A_78] : memref<8x128xi32, #tpu.memory_space<hbm>> -> memref<1x128xi32, #tpu.memory_space<hbm>>
        %dma_start3A_80 = tpu.memref_squeeze %dma_start3A_79 : memref<1x128xi32, #tpu.memory_space<hbm>> -> memref<128xi32, #tpu.memory_space<hbm>>
        %dma_start3A_81 = arith.constant 0 : i32
        %dma_start3A_82 = tpu.memref_slice %arg2[%arg1, %dma_start3A_81] : memref<8x128xi32, #tpu.memory_space<hbm>> -> memref<1x128xi32, #tpu.memory_space<hbm>>
        %dma_start3A_83 = tpu.memref_squeeze %dma_start3A_82 : memref<1x128xi32, #tpu.memory_space<hbm>> -> memref<128xi32, #tpu.memory_space<hbm>>
        tpu.enqueue_dma source(%dma_start3A_83 : memref<128xi32, #tpu.memory_space<hbm>>) target(%arg5 : memref<128xi32, #tpu.memory_space<vmem>>) target_semaphore(%arg9 : memref<!tpu.dma_semaphore, #tpu.memory_space<semaphore_mem>>)
        %mul3A_84 = arith.constant 128 : i32
        %mul3A_85 = arith.muli %arg1, %mul3A_84 : i32
        %multiple_of3A_86 = tpu.assume_multiple %mul3A_85, 8 : i32
        %dma_start3A_87 = tpu.memref_slice %arg3[%multiple_of3A_86] : memref<1024xf32, #tpu.memory_space<hbm>> -> memref<128xf32, #tpu.memory_space<hbm>>
        %dma_start3A_88 = tpu.memref_slice %arg3[%multiple_of3A_86] : memref<1024xf32, #tpu.memory_space<hbm>> -> memref<128xf32, #tpu.memory_space<hbm>>
        tpu.enqueue_dma source(%dma_start3A_88 : memref<128xf32, #tpu.memory_space<hbm>>) target(%arg6 : memref<128xf32, #tpu.memory_space<vmem>>) target_semaphore(%arg10 : memref<!tpu.dma_semaphore, #tpu.memory_space<semaphore_mem>>)
        %dma_wait3A_89 = arith.constant 0 : i32
        %dma_wait3A_90 = tpu.memref_slice %arg2[%arg1, %dma_wait3A_89] : memref<8x128xi32, #tpu.memory_space<hbm>> -> memref<1x128xi32, #tpu.memory_space<hbm>>
        %dma_wait3A_91 = tpu.memref_squeeze %dma_wait3A_90 : memref<1x128xi32, #tpu.memory_space<hbm>> -> memref<128xi32, #tpu.memory_space<hbm>>
        %dma_wait3A_92 = arith.constant 0 : i32
        %dma_wait3A_93 = tpu.memref_slice %arg2[%arg1, %dma_wait3A_92] : memref<8x128xi32, #tpu.memory_space<hbm>> -> memref<1x128xi32, #tpu.memory_space<hbm>>
        %dma_wait3A_94 = tpu.memref_squeeze %dma_wait3A_93 : memref<1x128xi32, #tpu.memory_space<hbm>> -> memref<128xi32, #tpu.memory_space<hbm>>
        tpu.wait_dma2 semaphore(%arg9 : memref<!tpu.dma_semaphore, #tpu.memory_space<semaphore_mem>>) src(%dma_wait3A_94 : memref<128xi32, #tpu.memory_space<hbm>>) dst(%arg5 : memref<128xi32, #tpu.memory_space<vmem>>)
        %dma_wait3A_95 = tpu.memref_slice %arg3[%multiple_of3A_86] : memref<1024xf32, #tpu.memory_space<hbm>> -> memref<128xf32, #tpu.memory_space<hbm>>
        %dma_wait3A_96 = tpu.memref_slice %arg3[%multiple_of3A_86] : memref<1024xf32, #tpu.memory_space<hbm>> -> memref<128xf32, #tpu.memory_space<hbm>>
        tpu.wait_dma2 semaphore(%arg10 : memref<!tpu.dma_semaphore, #tpu.memory_space<semaphore_mem>>) src(%dma_wait3A_96 : memref<128xf32, #tpu.memory_space<hbm>>) dst(%arg6 : memref<128xf32, #tpu.memory_space<vmem>>)
        %get3A = arith.constant 0 : index
        %get3A_97 = tpu.vector_load %arg6[%get3A] {strides = array<i32>} : memref<128xf32, #tpu.memory_space<vmem>>, vector<16xf32>,
        %get3A_98 = vector.shape_cast %get3A_97 : vector<16xf32> to vector<16xf32>
        %add3A = arith.constant 1.000000e+00 : f32
        %add3A_99 = vector.broadcast %add3A : f32 to vector<16xf32>
        %add3A_100 = arith.addf %get3A_98, %add3A_99 : vector<16xf32>
        %swap3A_101 = arith.constant 0 : index
        %swap3A_102 = tpu.vector_load %arg6[%swap3A_101] {strides = array<i32>} : memref<128xf32, #tpu.memory_space<vmem>>, vector<16xf32>,
        %swap3A_103 = vector.shape_cast %swap3A_102 : vector<16xf32> to vector<16xf32>
        %swap3A_104 = vector.shape_cast %add3A_100 : vector<16xf32> to vector<16xf32>
        tpu.vector_store %arg6[%swap3A_101], %swap3A_104 {strides = array<i32>} : memref<128xf32, #tpu.memory_space<vmem>>, vector<16xf32>,
        %get3A_105 = arith.constant 16 : index
        %get3A_106 = tpu.vector_load %arg6[%get3A_105] {strides = array<i32>} : memref<128xf32, #tpu.memory_space<vmem>>, vector<16xf32>,
        %get3A_107 = vector.shape_cast %get3A_106 : vector<16xf32> to vector<16xf32>
        %add3A_108 = arith.constant 1.000000e+00 : f32
        %add3A_109 = vector.broadcast %add3A_108 : f32 to vector<16xf32>
        %add3A_110 = arith.addf %get3A_107, %add3A_109 : vector<16xf32>
        %swap3A_111 = arith.constant 16 : index
        %swap3A_112 = tpu.vector_load %arg6[%swap3A_111] {strides = array<i32>} : memref<128xf32, #tpu.memory_space<vmem>>, vector<16xf32>,
        %swap3A_113 = vector.shape_cast %swap3A_112 : vector<16xf32> to vector<16xf32>
        %swap3A_114 = vector.shape_cast %add3A_110 : vector<16xf32> to vector<16xf32>
        tpu.vector_store %arg6[%swap3A_111], %swap3A_114 {strides = array<i32>} : memref<128xf32, #tpu.memory_space<vmem>>, vector<16xf32>,
        %get3A_115 = arith.constant 32 : index
        %get3A_116 = tpu.vector_load %arg6[%get3A_115] {strides = array<i32>} : memref<128xf32, #tpu.memory_space<vmem>>, vector<16xf32>,
        %get3A_117 = vector.shape_cast %get3A_116 : vector<16xf32> to vector<16xf32>
        %add3A_118 = arith.constant 1.000000e+00 : f32
        %add3A_119 = vector.broadcast %add3A_118 : f32 to vector<16xf32>
        %add3A_120 = arith.addf %get3A_117, %add3A_119 : vector<16xf32>
        %swap3A_121 = arith.constant 32 : index
        %swap3A_122 = tpu.vector_load %arg6[%swap3A_121] {strides = array<i32>} : memref<128xf32, #tpu.memory_space<vmem>>, vector<16xf32>,
        %swap3A_123 = vector.shape_cast %swap3A_122 : vector<16xf32> to vector<16xf32>
        %swap3A_124 = vector.shape_cast %add3A_120 : vector<16xf32> to vector<16xf32>
        tpu.vector_store %arg6[%swap3A_121], %swap3A_124 {strides = array<i32>} : memref<128xf32, #tpu.memory_space<vmem>>, vector<16xf32>,
        %get3A_125 = arith.constant 48 : index
        %get3A_126 = tpu.vector_load %arg6[%get3A_125] {strides = array<i32>} : memref<128xf32, #tpu.memory_space<vmem>>, vector<16xf32>,
        %get3A_127 = vector.shape_cast %get3A_126 : vector<16xf32> to vector<16xf32>
        %add3A_128 = arith.constant 1.000000e+00 : f32
        %add3A_129 = vector.broadcast %add3A_128 : f32 to vector<16xf32>
        %add3A_130 = arith.addf %get3A_127, %add3A_129 : vector<16xf32>
        %swap3A_131 = arith.constant 48 : index
        %swap3A_132 = tpu.vector_load %arg6[%swap3A_131] {strides = array<i32>} : memref<128xf32, #tpu.memory_space<vmem>>, vector<16xf32>,
        %swap3A_133 = vector.shape_cast %swap3A_132 : vector<16xf32> to vector<16xf32>
        %swap3A_134 = vector.shape_cast %add3A_130 : vector<16xf32> to vector<16xf32>
        tpu.vector_store %arg6[%swap3A_131], %swap3A_134 {strides = array<i32>} : memref<128xf32, #tpu.memory_space<vmem>>, vector<16xf32>,
        %get3A_135 = arith.constant 64 : index
        %get3A_136 = tpu.vector_load %arg6[%get3A_135] {strides = array<i32>} : memref<128xf32, #tpu.memory_space<vmem>>, vector<16xf32>,
        %get3A_137 = vector.shape_cast %get3A_136 : vector<16xf32> to vector<16xf32>
        %add3A_138 = arith.constant 1.000000e+00 : f32
        %add3A_139 = vector.broadcast %add3A_138 : f32 to vector<16xf32>
        %add3A_140 = arith.addf %get3A_137, %add3A_139 : vector<16xf32>
        %swap3A_141 = arith.constant 64 : index
        %swap3A_142 = tpu.vector_load %arg6[%swap3A_141] {strides = array<i32>} : memref<128xf32, #tpu.memory_space<vmem>>, vector<16xf32>,
        %swap3A_143 = vector.shape_cast %swap3A_142 : vector<16xf32> to vector<16xf32>
        %swap3A_144 = vector.shape_cast %add3A_140 : vector<16xf32> to vector<16xf32>
        tpu.vector_store %arg6[%swap3A_141], %swap3A_144 {strides = array<i32>} : memref<128xf32, #tpu.memory_space<vmem>>, vector<16xf32>,
        %get3A_145 = arith.constant 80 : index
        %get3A_146 = tpu.vector_load %arg6[%get3A_145] {strides = array<i32>} : memref<128xf32, #tpu.memory_space<vmem>>, vector<16xf32>,
        %get3A_147 = vector.shape_cast %get3A_146 : vector<16xf32> to vector<16xf32>
        %add3A_148 = arith.constant 1.000000e+00 : f32
        %add3A_149 = vector.broadcast %add3A_148 : f32 to vector<16xf32>
        %add3A_150 = arith.addf %get3A_147, %add3A_149 : vector<16xf32>
        %swap3A_151 = arith.constant 80 : index
        %swap3A_152 = tpu.vector_load %arg6[%swap3A_151] {strides = array<i32>} : memref<128xf32, #tpu.memory_space<vmem>>, vector<16xf32>,
        %swap3A_153 = vector.shape_cast %swap3A_152 : vector<16xf32> to vector<16xf32>
        %swap3A_154 = vector.shape_cast %add3A_150 : vector<16xf32> to vector<16xf32>
        tpu.vector_store %arg6[%swap3A_151], %swap3A_154 {strides = array<i32>} : memref<128xf32, #tpu.memory_space<vmem>>, vector<16xf32>,
        %get3A_155 = arith.constant 96 : index
        %get3A_156 = tpu.vector_load %arg6[%get3A_155] {strides = array<i32>} : memref<128xf32, #tpu.memory_space<vmem>>, vector<16xf32>,
        %get3A_157 = vector.shape_cast %get3A_156 : vector<16xf32> to vector<16xf32>
        %add3A_158 = arith.constant 1.000000e+00 : f32
        %add3A_159 = vector.broadcast %add3A_158 : f32 to vector<16xf32>
        %add3A_160 = arith.addf %get3A_157, %add3A_159 : vector<16xf32>
        %swap3A_161 = arith.constant 96 : index
        %swap3A_162 = tpu.vector_load %arg6[%swap3A_161] {strides = array<i32>} : memref<128xf32, #tpu.memory_space<vmem>>, vector<16xf32>,
        %swap3A_163 = vector.shape_cast %swap3A_162 : vector<16xf32> to vector<16xf32>
        %swap3A_164 = vector.shape_cast %add3A_160 : vector<16xf32> to vector<16xf32>
        tpu.vector_store %arg6[%swap3A_161], %swap3A_164 {strides = array<i32>} : memref<128xf32, #tpu.memory_space<vmem>>, vector<16xf32>,
        %get3A_165 = arith.constant 112 : index
        %get3A_166 = tpu.vector_load %arg6[%get3A_165] {strides = array<i32>} : memref<128xf32, #tpu.memory_space<vmem>>, vector<16xf32>,
        %get3A_167 = vector.shape_cast %get3A_166 : vector<16xf32> to vector<16xf32>
        %add3A_168 = arith.constant 1.000000e+00 : f32
        %add3A_169 = vector.broadcast %add3A_168 : f32 to vector<16xf32>
        %add3A_170 = arith.addf %get3A_167, %add3A_169 : vector<16xf32>
        %swap3A_171 = arith.constant 112 : index
        %swap3A_172 = tpu.vector_load %arg6[%swap3A_171] {strides = array<i32>} : memref<128xf32, #tpu.memory_space<vmem>>, vector<16xf32>,
        %swap3A_173 = vector.shape_cast %swap3A_172 : vector<16xf32> to vector<16xf32>
        %swap3A_174 = vector.shape_cast %add3A_170 : vector<16xf32> to vector<16xf32>
        tpu.vector_store %arg6[%swap3A_171], %swap3A_174 {strides = array<i32>} : memref<128xf32, #tpu.memory_space<vmem>>, vector<16xf32>,
      } else {
      }
      %dma_wait3A = tpu.memref_slice %arg4[%multiple_of3A] : memref<4096xf32, #tpu.memory_space<hbm>> -> memref<256xf32, #tpu.memory_space<hbm>>
      %dma_wait3A_72 = tpu.memref_slice %arg4[%multiple_of3A] : memref<4096xf32, #tpu.memory_space<hbm>> -> memref<256xf32, #tpu.memory_space<hbm>>
      tpu.wait_dma2 semaphore(%arg8 : memref<!tpu.dma_semaphore, #tpu.memory_space<semaphore_mem>>) src(%arg7 : memref<256xf32, #tpu.memory_space<vmem>>) dst(%dma_wait3A_72 : memref<256xf32, #tpu.memory_space<hbm>>)
      %barrier3A = arith.constant 0 : index
      tpu.barrier barrier_id(%barrier3A)
      %lt3A_73 = arith.constant 8 : i32
      %lt3A_74 = arith.cmpi slt, %arg1, %lt3A_73 : i32
      %convert_element_type3A_75 = arith.extui %lt3A_74 : i1 to i32
      %cond3A_76 = arith.constant 0 : i32
      %cond3A_77 = arith.cmpi ne, %convert_element_type3A_75, %cond3A_76 : i32
      scf.if %cond3A_77 {
        %dma_start3A_78 = arith.constant 0 : i32
        %dma_start3A_79 = tpu.memref_slice %arg4[%dma_start3A_78] : memref<4096xf32, #tpu.memory_space<hbm>> -> memref<4096xf32, #tpu.memory_space<hbm>>
        tpu.enqueue_indirect_dma source(%arg6 : memref<128xf32, #tpu.memory_space<vmem>>) target(%dma_start3A_79 : memref<4096xf32, #tpu.memory_space<hbm>>) offsets(%arg5 : memref<128xi32, #tpu.memory_space<vmem>>) semaphore(%arg11 : memref<!tpu.dma_semaphore, #tpu.memory_space<semaphore_mem>>)
        %dma_wait3A_80 = arith.constant 0 : i32
        %dma_wait3A_81 = tpu.memref_slice %arg4[%dma_wait3A_80] : memref<4096xf32, #tpu.memory_space<hbm>> -> memref<4096xf32, #tpu.memory_space<hbm>>
        tpu.wait_indirect_dma semaphore(%arg11 : memref<!tpu.dma_semaphore, #tpu.memory_space<semaphore_mem>>) src(%arg6 : memref<128xf32, #tpu.memory_space<vmem>>) dst(%dma_wait3A_81 : memref<4096xf32, #tpu.memory_space<hbm>>)
      } else {
      }
    } else {
    }
    return
  }
}

module attributes {stable_mosaic.version = 14 : i64} {
  func.func @_mul_body(%arg0: i32, %arg1: memref<512x4096xf32, #tpu.memory_space<vmem>>, %arg2: memref<1x4096xf32, #tpu.memory_space<vmem>>, %arg3: memref<512x4096xf32, #tpu.memory_space<vmem>>) attributes {dimension_semantics = [#tpu.dimension_semantics<arbitrary>], iteration_bounds = array<i64: 16>, scalar_prefetch = 0 : i64, scratch_operands = 0 : i64, tpu.core_type = #tpu.core_type<tc>, window_params = [{transform_indices = @transform_0, window_bounds = array<i64: 512, 4096>}, {pipeline_mode = #tpu.pipeline_mode<synchronous>, transform_indices = @transform_1, window_bounds = array<i64: 1, 4096>}, {transform_indices = @transform_2, window_bounds = array<i64: 512, 4096>}]} {
    %get3A = arith.constant 0 : index
    %get3A_0 = arith.constant 0 : index
    %get3A_1 = vector.load %arg1[%get3A, %get3A_0] : memref<512x4096xf32, #tpu.memory_space<vmem>>, vector<512x4096xf32>
    %get3A_2 = arith.constant 0 : index
    %get3A_3 = arith.constant 0 : index
    %get3A_4 = vector.load %arg2[%get3A_2, %get3A_3] : memref<1x4096xf32, #tpu.memory_space<vmem>>, vector<1x4096xf32>
    %mul3A = vector.broadcast %get3A_4 : vector<1x4096xf32> to vector<512x4096xf32>
    %mul3A_5 = arith.mulf %get3A_1, %mul3A : vector<512x4096xf32>
    %swap3A = arith.constant 0 : index
    %swap3A_6 = arith.constant 0 : index
    %swap3A_7 = vector.load %arg3[%swap3A, %swap3A_6] : memref<512x4096xf32, #tpu.memory_space<vmem>>, vector<512x4096xf32>
    tpu.vector_store %arg3[%swap3A, %swap3A_6], %mul3A_5 {strides = array<i32>} : memref<512x4096xf32, #tpu.memory_space<vmem>>, vector<512x4096xf32>,
    return
  }
  func.func @transform_0(%arg0: i32) -> (i32, i32) {
    %c0_i32 = arith.constant 0 : i32
    %c0_i32_0 = arith.constant 0 : i32
    return %arg0, %c0_i32 : i32, i32
  }
  func.func @transform_1(%arg0: i32) -> (i32, i32) {
    %c0_i32 = arith.constant 0 : i32
    %c0_i32_0 = arith.constant 0 : i32
    %c0_i32_1 = arith.constant 0 : i32
    return %c0_i32, %c0_i32_0 : i32, i32
  }
  func.func @transform_2(%arg0: i32) -> (i32, i32) {
    %c0_i32 = arith.constant 0 : i32
    %c0_i32_0 = arith.constant 0 : i32
    return %arg0, %c0_i32 : i32, i32
  }
}

</mosaic_0001>

<sc_bundles>
// kernel: kernel.4.cloned.1.call-start
scs
__scs_entry_jumppad:
0x0: {  	(pc) =	sbr.rel $0x88, $3  }
0x1: {  	(tag) =	ssettag $0x0;
	lr =	simm.s32 $0x1  }
0x2: {  	[smem:$0x3F9E] =	sst lr;
	_ =	strace $0xD0000000  }
0x3: {  	_ = 	snop  }
0x4: {  	_ = 	snop  }
0x5: {  	_ = 	snop  }
0x6: {  	_ = 	snop  }
0x7: {  	_ = 	snop  }
__scs_overlays_trampoline_lowered:
0x8: {  	[smem:$0x3FAD] =	sst s0  }
0x9: {  	[smem:$0x3FAE] =	sst s1  }
0xa: {  	[smem:$0x3FAF] =	sst s2  }
0xb: {  	[smem:$0x3FB0] =	sst s3  }
0xc: {  	[smem:$0x3FB1] =	sst s4  }
0xd: {  	[smem:$0x3FB2] =	sst s5  }
0xe: {  	[smem:$0x3FB3] =	sst s6  }
0xf: {  	[smem:$0x3FB4] =	sst s7  }
0x10: {  	[smem:$0x3FB5] =	sst s8  }
0x11: {  	[smem:$0x3FB6] =	sst s9;
	s0 =	simm.s32 @!p0 $0x0  }
0x12: {  	s1 =	sld [smem:$0x3F9C];
	s0 =	simm.s32 @p0 $0x1  }
0x13: {  	[smem:$0x3FB7] =	sst s0;
	s0 =	simm.s32 @!p1 $0x0  }
0x14: {  	s2 =	sld [smem:$0x3F9B];
	s0 =	simm.s32 @p1 $0x1  }
0x15: {  	[smem:$0x3FB8] =	sst s0;
	s0 =	simm.s32 @!p2 $0x0  }
0x16: {  	s3 =	sld [smem:$0x3FDB];
	s0 =	simm.s32 @p2 $0x1  }
0x17: {  	s4 =	simm.s32 $0x1BF5;
	[smem:$0x3FBA] =	sst s0  }
0x18: {  	s0 =	sld [smem:$0x3F9D];
	_ =	swait.ge [sflag:s4], $0x0  }
0x19: {  	s7 =	sld [smem:$0x3F9E]  }
0x1a: {  	s8 =	sadd.s32 $0xFFFFE003, lr  }
0x1b: {  	s9 =	sadd.s32 $0xFFFFFEF7, lr;
	s5 =	simm.s32 $0xFFFFFFFF;
	p2 =	slt.u32 s8, $0xFFFFF086  }
0x1c: {  	p1 =	slt.u32 s9, $0xF7A;
	s5 =	simm.s32 @!p2 $0x0  }
0x1d: {  	s5 =	simm.s32 @p1 $0x1;
	p0 =	seq.s32 s7, s2  }
0x1e: {  	s7 =	smul.u32 @!p0 $0xF7A, s2;
	p2 =	seq.s32 @!p0 s5, $0x0  }
0x1f: {  	s9 =	smul.u32 $0xF7A, s1;
	s8 =	simm.s32 @!p0 $0x1BF5;
	p2 =	por !p2, p0  }
0x20: {  	[sflag:s8] =	ssyncset.s32 @!p0 $0xFFFFF086;
	s6 =	sadd.s32 @!p0 s3, s7;
	s7 =	simm.s32 @!p0 $0x108  }
0x21: {  	s3 =	sadd.s32 s3, s9;
	s6 =	sadd.s32 @!p0 $0x88, s6;
	s7 =	simm.s32 @p2 $0x1082  }
0x22: {  	[simem:s7], [sflag:s8] =	dma.local @!p0 [hbm:s6], $0xF7A  }
0x23: {  	s9 =	sor.u32 $0xD0000000, s2;
	s6 =	simm.s32 $0x108;
	_ =	swait.ge @!p0 [sflag:s8], $0x0  }
0x24: {  	s3 =	sadd.s32 $0x88, s3;
	s6 =	simm.s32 @!p1 $0x1082;
	[sflag:s4] =	ssyncset.s32 $0xFFFFF086  }
0x25: {  	[simem:s6], [sflag:s4] =	dma.local [hbm:s3], $0xF7A  }
0x26: {  	[smem:$0x3F9E] =	sst s1;
	(tag) =	ssettag s2;
	_ =	strace s9  }
0x27: {  	s1 =	sld [smem:$0x3FAE]  }
0x28: {  	s2 =	sld [smem:$0x3FAF]  }
0x29: {  	s4 =	sld [smem:$0x3FB1]  }
0x2a: {  	p0 =	seq.s32 s5, $0x0;
	s5 =	sld [smem:$0x3FB2]  }
0x2b: {  	s6 =	sld [smem:$0x3FB3]  }
0x2c: {  	s7 =	sld [smem:$0x3FB4]  }
0x2d: {  	s3 =	simm.s32 $0x108;
	s8 =	sld [smem:$0x3FB5]  }
0x2e: {  	s3 =	simm.s32 @!p0 $0x1082;
	s9 =	sld [smem:$0x3FB6]  }
0x2f: {  	lr =	sadd.s32 s0, s3;
	s0 =	sld [smem:$0x3FAD]  }
0x30: {  	s3 =	sld [smem:$0x3FB0]  }
0x31: {  	[smem:$0x3FB9] =	sst s10  }
0x32: {  	s10 =	sld [smem:$0x3FB7];
	_ =	sdelay $0x3  }
0x33: {  	p0 =	seq.s32 s10, $0x1;
	s10 =	sld [smem:$0x3FB9];
	_ =	sdelay $0x3  }
0x34: {  	[smem:$0x3FB9] =	sst s10  }
0x35: {  	s10 =	sld [smem:$0x3FB8];
	_ =	sdelay $0x3  }
0x36: {  	p1 =	seq.s32 s10, $0x1;
	s10 =	sld [smem:$0x3FB9];
	_ =	sdelay $0x3  }
0x37: {  	[smem:$0x3FB9] =	sst s10  }
0x38: {  	s10 =	sld [smem:$0x3FBA]  }
0x39: {  	_ = 	snop;
	(pc) =	sbr.ind lr, $3  }
0x3a: {  	_ = 	snop  }
0x3b: {  	_ = 	snop  }
0x3c: {  	p2 =	seq.s32 s10, $0x1;
	s10 =	sld [smem:$0x3FB9]  }
0x3d: {  	_ =	shalt  }
0x3e: {  	_ =	shalt  }
0x3f: {  	_ =	shalt  }
0x40: {  	_ =	shalt  }
0x41: {  	_ =	shalt  }
0x42: {  	_ =	shalt  }
0x43: {  	_ =	shalt  }
0x44: {  	_ =	shalt  }
0x45: {  	_ =	shalt  }
0x46: {  	_ =	shalt  }
0x47: {  	_ =	shalt  }
0x48: {  	_ =	shalt  }
0x49: {  	_ =	shalt  }
0x4a: {  	_ =	shalt  }
0x4b: {  	_ =	shalt  }
0x4c: {  	_ =	shalt  }
0x4d: {  	_ =	shalt  }
0x4e: {  	_ =	shalt  }
0x4f: {  	_ =	shalt  }
0x50: {  	_ =	shalt  }
0x51: {  	_ =	shalt  }
0x52: {  	_ =	shalt  }
0x53: {  	_ =	shalt  }
0x54: {  	_ =	shalt  }
0x55: {  	_ =	shalt  }
0x56: {  	_ =	shalt  }
0x57: {  	_ =	shalt  }
0x58: {  	_ =	shalt  }
0x59: {  	_ =	shalt  }
0x5a: {  	_ =	shalt  }
0x5b: {  	_ =	shalt  }
0x5c: {  	_ =	shalt  }
0x5d: {  	_ =	shalt  }
0x5e: {  	_ =	shalt  }
0x5f: {  	_ =	shalt  }
0x60: {  	_ =	shalt  }
0x61: {  	_ =	shalt  }
0x62: {  	_ =	shalt  }
0x63: {  	_ =	shalt  }
0x64: {  	_ =	shalt  }
0x65: {  	_ =	shalt  }
0x66: {  	_ =	shalt  }
0x67: {  	_ =	shalt  }
0x68: {  	_ =	shalt  }
0x69: {  	_ =	shalt  }
0x6a: {  	_ =	shalt  }
0x6b: {  	_ =	shalt  }
0x6c: {  	_ =	shalt  }
0x6d: {  	_ =	shalt  }
0x6e: {  	_ =	shalt  }
0x6f: {  	_ =	shalt  }
0x70: {  	_ =	shalt  }
0x71: {  	_ =	shalt  }
0x72: {  	_ =	shalt  }
0x73: {  	_ =	shalt  }
0x74: {  	_ =	shalt  }
0x75: {  	_ =	shalt  }
0x76: {  	_ =	shalt  }
0x77: {  	_ =	shalt  }
0x78: {  	_ =	shalt  }
0x79: {  	_ =	shalt  }
0x7a: {  	_ =	shalt  }
0x7b: {  	_ =	shalt  }
0x7c: {  	_ =	shalt  }
0x7d: {  	_ =	shalt  }
0x7e: {  	_ =	shalt  }
0x7f: {  	_ =	shalt  }
0x80: {  	_ =	shalt  }
0x81: {  	_ =	shalt  }
0x82: {  	_ =	shalt  }
0x83: {  	_ =	shalt  }
0x84: {  	_ =	shalt  }
0x85: {  	_ =	shalt  }
0x86: {  	_ =	shalt  }
0x87: {  	_ =	shalt  }
.Lfunc_end0:
.L_simem_size_0:
called_computation_lowered:
.L_overlay_start_0:
0x88: {  	s2 =	sld [smem:$0x3FD9]  }
0x89: {  	s3 =	sld [smem:$0x3FFE];
	_ =	sdelay $0x1  }
0x8a: {  	s1 =	srdreg.scid  }
0x8b: {  	s0 =	sand.u32 $0x1, s1  }
0x8c: {  	s18 =	sshll.u32 s0, $0xA;
	s2 =	sadd.s32 s3, s2  }
0x8d: {  	s2 =	sadd.s32 s2, s18  }
0x8e: {  	[smem:$0x3FC5] =	sst s2  }
0x8f: {  	_ = 	snop  }
0x90: {  	s2 =	sld [smem:$0x3FC8]  }
0x91: {  	s19 =	sld [smem:$0x3FC7]  }
0x92: {  	s4 =	sld [smem:$0x3FD0];
	(tm) =	ssettm $0x1  }
0x93: {  	s5 =	sld [smem:$0x3FFB];
	_ =	sdelay $0x3  }
0x94: {  	_ =	strace s5  }
0x95: {  	s5 =	sld [smem:$0x3FFC];
	_ =	sdelay $0x3  }
0x96: {  	_ =	strace s5  }
0x97: {  	s5 =	sld [smem:$0x3FFD];
	_ =	sdelay $0x3  }
0x98: {  	_ =	strace s5  }
0x99: {  	_ =	strace $0x8FFFFFFF  }
0x9a: {  	s20 =	sld [smem:$0x3FDB];
	_ =	sdelay $0x1  }
0x9b: {  	s6 =	simm.s32 $_scs_section_size  }
0x9c: {  	s7 =	simm.s32 $_size__tile_overlayer_lowered;
	s8 =	simm.s32 $_tile_overlayer_lowered  }
0x9d: {  	s23 =	simm.s32 $0x1BFF;
	s22 =	sshll.u32 s8, $0x1;
	s5 =	sadd.s32 s6, s20  }
0x9e: {  	s9 =	simm.s32 $0x0;
	s21 =	sshll.u32 s7, $0x1;
	s7 =	sadd.s32 s22, s5  }
0x9f: {  	[timem:s9], [sflag:s23] =	dma.local [hbm:s7], s21  }
0xa0: {  	_ =	swait.ge [sflag:s23], s21  }
0xa1: {  	s6 =	ssub.s32 $0x0, s21;
	[sflag:s23] =	ssyncset.done $0x0  }
0xa2: {  	[sflag:s23] =	ssyncadd.s32 s6;
	_ =	sdelay $0x1  }
0xa3: {  	s24 =	simm.s32 $0x1B8B  }
0xa4: {  	_ =	swait.ge [sflag:s24], $0x1  }
0xa5: {  	[sflag:s24] =	ssyncset.done $0x0  }
0xa6: {  	s25 =	simm.s32 $0x1B8E;
	[sflag:s24] =	ssyncadd.s32 $0xFFFFFFFF  }
0xa7: {  	s26 =	simm.s32 $execute0_lowered;
	[smem:$0x3FD2] =	sst s25  }
0xa8: {  	s6 =	sshll.u32 s26, $0x1;
	_ =	strace $0x80000046;
	[dreg:$0x1] =	wrdreg $0xFFFFFFFF  }
0xa9: {  	s28 =	simm.s32 $_size_execute0_lowered;
	s5 =	sadd.s32 s5, s6;
	[dreg:$0x0] =	wrdreg $0x0  }
0xaa: {  	s6 =	sshll.u32 s28, $0x1;
	[dreg:$0x2] =	wrdreg s5  }
0xab: {  	[dreg:$0x3] =	wrdreg s6  }
0xac: {  	[dreg:$0x4] =	wrdreg $0xC0  }
0xad: {  	_ =	task [dreg:s9], $0x5FFFF  }
0xae: {  	[dreg:$0x1] =	wrdreg $0xFFFFFFFF  }
0xaf: {  	[dreg:$0x0] =	wrdreg $0x60  }
0xb0: {  	[dreg:$0x2] =	wrdreg s2  }
0xb1: {  	[dreg:$0x3] =	wrdreg s19  }
0xb2: {  	[dreg:$0x4] =	wrdreg s4  }
0xb3: {  	[dreg:$0x5] =	wrdreg $0x9  }
0xb4: {  	_ =	task.clear_ibuf [dreg:s9], $0x6FFFF;
	_ =	strace $0x90000046  }
0xb5: {  	s29 =	simm.s32 $0x9;
	_ =	strace $0x80000048  }
0xb6: {  	_ =	swait.ge [sflag:s29], $0x1  }
0xb7: {  	[sflag:s29] =	ssyncadd.s32 $0xFFFFFFFF  }
0xb8: {  	_ =	strace $0x90000048  }
0xb9: {  	_ =	sfence  }
0xba: {  	s30 =	sld [smem:$0x0];
	_ =	sdelay $0x2  }
0xbb: {  	s31 =	sshll.u32 s1, $0xD;
	s1 =	sshrl.u32 s1, $0x2  }
0xbc: {  	s3 =	sand.u32 $0x4000, s31;
	s1 =	sadd.s32 s1, s30  }
0xbd: {  	s0 =	sor.u32 s3, s0;
	s1 =	sshll.u32 s1, $0x11  }
0xbe: {  	s0 =	sor.u32 s1, s0  }
0xbf: {  	s0 =	sadd.s32 $0x8F2B, s0  }
0xc0: {  	[sflag:s0] =	ssyncadd.remote.s32 $0x1  }
0xc1: {  	_ =	sfence.sel $0xFFFF  }
0xc2: {  	[dreg:$0x0] =	wrdreg $0xFFFFFFFF;
	(pc) =	sbr.abs _section_cstart, $3  }
0xc3: {  	[dreg:$0x1] =	wrdreg $0xFFFFFFFF  }
0xc4: {  	_ =	task.clear_ibuf [dreg:s9], $0x2FFFF;
	_ =	strace $0x9FFFFFFF  }
0xc5: {  	(tm) =	ssettm $0x7FFFFFFF  }
tec
execute0_lowered:
.L_overlay_start_1:
0x0: {  	(tag) =	ssettag $0x1  }
0x1: {  	s1 =	srdreg.scid  }
0x2: {  	s1 =	sand.u32 $0x1, s1  }
0x3: {  	p0 =	seq.s32 s1, $0x1  }
.Ltmp0:
0x4: {  	s4 =	rddreg [dreg:$0x0];
	(pc) =	sbr.rel @p0 .LBB2_2-.Ltmp0, $4  }
0x5: {  	s3 =	rddreg [dreg:$0x1]  }
0x6: {  	s2 =	rddreg [dreg:$0x2];
	s5 =	simm.s32 $0x0  }
0x7: {  	[smem:$0x7FF] =	sst s5  }
0x8: {  	s0 =	rddreg [dreg:$0x3];
	_ =	strace $0x80000047;
	s1 =	stileid.u32  }
0x9: {  	v0 =	vimm.f32 $0.0e+00  }
0xa: {  	[tilespmem:$0x100] =	vst v0  }
0xb: {  	[tilespmem:$0x110] =	vst v0  }
0xc: {  	[tilespmem:$0x120] =	vst v0  }
0xd: {  	[tilespmem:$0x130] =	vst v0  }
0xe: {  	[tilespmem:$0x140] =	vst v0  }
0xf: {  	[tilespmem:$0x150] =	vst v0  }
0x10: {  	[tilespmem:$0x160] =	vst v0  }
0x11: {  	[tilespmem:$0x170] =	vst v0  }
0x12: {  	[tilespmem:$0x180] =	vst v0  }
0x13: {  	[tilespmem:$0x190] =	vst v0  }
0x14: {  	[tilespmem:$0x1A0] =	vst v0  }
0x15: {  	[tilespmem:$0x1B0] =	vst v0  }
0x16: {  	[tilespmem:$0x1C0] =	vst v0  }
0x17: {  	[tilespmem:$0x1D0] =	vst v0  }
0x18: {  	s6 =	sshll.u32 s1, $0x5;
	[tilespmem:$0x1E0] =	vst v0  }
0x19: {  	p0 =	sgt.u32 s1, $0x7;
	s7 =	simm.s32 $0x100;
	s6 =	sadd.s32 s2, s6;
	[tilespmem:$0x1F0] =	vst v0  }
0x1a: {  	[hbm4b:s6+s5] =	stream.linear.scatter [tilespmem:s7], [sflag:$0x1], $0x100, $0x38;
	[tilespmem:$0x200] =	vst v63  }
0x1b: {  	s5 =	simm.s32 @p0 $0x1  }
0x1c: {  	_ =	swait.ge @p0 [sflag:s5], $0x100  }
0x1d: {  	[sflag:s5] =	ssyncset.done @p0 $0x0  }
0x1e: {  	s31 =	sshll.u32 s1, $0x4;
	[sflag:s5] =	ssyncadd.s32 @p0 $0xFFFFFF00  }
0x1f: {  	s4 =	sadd.s32 s4, s31;
	s5 =	simm.s32 @!p0 $0x0;
	[bflag:$0x0] =	sbarrier.arrive @p0 $0xFFFF  }
0x20: {  	[tilespmem:s5], [sflag:$0x2] =	stream.linear.gather @!p0 [hbm4b:s4+s5], $0x80, $0x38;
	[tilespmem:$0x200] =	vst v63  }
0x21: {  	s3 =	sadd.s32 s3, s31;
	s4 =	simm.s32 @!p0 $0x80  }
0x22: {  	[tilespmem:s4], [sflag:$0x3] =	stream.linear.gather @!p0 [hbm4b:s3+s5], $0x80, $0x38;
	[tilespmem:$0x200] =	vst v63  }
0x23: {  	s3 =	simm.s32 @!p0 $0x2  }
0x24: {  	_ =	swait.ge @!p0 [sflag:s3], $0x80  }
0x25: {  	[sflag:s3] =	ssyncset.done @!p0 $0x0  }
0x26: {  	[sflag:s3] =	ssyncadd.s32 @!p0 $0xFFFFFF80;
	s3 =	simm.s32 @!p0 $0x3  }
0x27: {  	_ =	swait.ge @!p0 [sflag:s3], $0x80  }
0x28: {  	[sflag:s3] =	ssyncset.done @!p0 $0x0  }
0x29: {  	[sflag:s3] =	ssyncadd.s32 @!p0 $0xFFFFFF80  }
0x2a: {  	v0 =	vld @!p0 [tilespmem:$0x80]  }
0x2b: {  	v1 =	vld @!p0 [tilespmem:$0x90]  }
0x2c: {  	v2 =	vld @!p0 [tilespmem:$0xA0]  }
0x2d: {  	v3 =	vld @!p0 [tilespmem:$0xB0]  }
0x2e: {  	v4 =	vld @!p0 [tilespmem:$0xC0]  }
0x2f: {  	v5 =	vld @!p0 [tilespmem:$0xD0];
	v0 =	vadd.f32 @!p0 $1.000000000e+00, v0  }
0x30: {  	v6 =	vld @!p0 [tilespmem:$0xE0];
	v1 =	vadd.f32 @!p0 $1.000000000e+00, v1  }
0x31: {  	[tilespmem:$0x80] =	vst @!p0 v0;
	v0 =	vadd.f32 @!p0 $1.000000000e+00, v2;
	v2 =	vld @!p0 [tilespmem:$0xF0]  }
0x32: {  	[tilespmem:$0x90] =	vst @!p0 v1;
	v1 =	vadd.f32 @!p0 $1.000000000e+00, v3  }
0x33: {  	[tilespmem:$0xA0] =	vst @!p0 v0;
	v0 =	vadd.f32 @!p0 $1.000000000e+00, v4  }
0x34: {  	[tilespmem:$0xB0] =	vst @!p0 v1;
	v1 =	vadd.f32 @!p0 $1.000000000e+00, v5  }
0x35: {  	[tilespmem:$0xC0] =	vst @!p0 v0;
	v0 =	vadd.f32 @!p0 $1.000000000e+00, v6  }
0x36: {  	[tilespmem:$0xD0] =	vst @!p0 v1;
	v1 =	vadd.f32 @!p0 $1.000000000e+00, v2  }
0x37: {  	[tilespmem:$0xE0] =	vst @!p0 v0  }
0x38: {  	s3 =	simm.s32 @!p0 $0x1;
	[tilespmem:$0xF0] =	vst @!p0 v1  }
0x39: {  	_ =	swait.ge @!p0 [sflag:s3], $0x100  }
0x3a: {  	[sflag:s3] =	ssyncset.done @!p0 $0x0  }
0x3b: {  	[sflag:s3] =	ssyncadd.s32 @!p0 $0xFFFFFF00  }
0x3c: {  	[bflag:$0x0] =	sbarrier.arrive @!p0 $0xFFFF  }
0x3d: {  	[hbm4b:s2+s4] =	stream.indirect.scatter @!p0 [tilespmem:s4], [sflag:$0x4], $0x1, s5, s4, $0xb8;
	[tilespmem:$0x200] =	vst v63  }
0x3e: {  	s2 =	simm.s32 @!p0 $0x4  }
0x3f: {  	_ =	swait.ge @!p0 [sflag:s2], $0x80  }
0x40: {  	[sflag:s2] =	ssyncset.done @!p0 $0x0  }
0x41: {  	[sflag:s2] =	ssyncadd.s32 @!p0 $0xFFFFFF80  }
.LBB2_2:
0x42: {  	_ =	sfence.sel $0x180000  }
0x43: {  	[bflag:$0x0] =	sbarrier.arrive $0xFFFF  }
0x44: {  	p0 =	sne.s32 s1, $0x0;
	_ =	strace $0x90000047  }
0x45: {  	s0 =	sadd.s32 @!p0 $0x100000, s0;
	[bflag:$0x2] =	sbarrier.arrive $0xFFFF  }
0x46: {  	[sflag:s0] =	ssyncadd.tile.s32 @!p0 $0x1;
	_ =	shalt  }
.Lfunc_end2:
_tile_overlayer_lowered:
.L_overlay_start_2:
0x47: {  	(tag) =	ssettag $0x2  }
0x48: {  	s0 =	rddreg [dreg:$0x0];
	s2 =	stileid.u32  }
0x49: {  	s1 =	rddreg [dreg:$0x1];
	p0 =	sne.s32 s2, $0x0  }
0x4a: {  	s3 =	rddreg [dreg:$0x2];
	[bflag:$0x3] =	sbarrier.arrive $0xFFFF;
	s2 =	simm.s32 @!p0 $0x1C05  }
0x4b: {  	[timem:s3], [sflag:s2] =	dma.local @!p0 [hbm:s0], s1  }
0x4c: {  	s0 =	simm.s32 @!p0 $0x5  }
0x4d: {  	_ =	swait.ge @!p0 [sflag:s0], s1  }
0x4e: {  	s1 =	ssub.s32 @!p0 $0x0, s1;
	[sflag:s0] =	ssyncset.done @!p0 $0x0  }
0x4f: {  	[sflag:s0] =	ssyncadd.s32 @!p0 s1  }
0x50: {  	[bflag:$0x3] =	sbarrier.arrive $0xFFFF  }
0x51: {  	_ =	shalt  }

</sc_bundles>
